<compile_context>
chip_gen: v7x
topology: tpu7x:2x2x1
jax: 0.10.2.dev20260603
libtpu: 0.0.44.dev20260713+nightly
codegen_flags: <defaults>
</compile_context>

<pallas_src>
import jax
import jax.numpy as jnp
from jax import lax
from jax.experimental import pallas as pl
from jax.experimental.pallas import tpu as pltpu
from jax.experimental.pallas import tpu_sc as plsc

BATCH = 1024
NUM_FEATURES = 768
MARGIN = 0.1
TAU = 0.02
_NEG_INF = -1e30

_NC, _NS = 2, 16
_NW = _NC * _NS
_ROWS_PER_W = BATCH // _NW
_NCHUNK = 4
_CHUNK = _ROWS_PER_W // _NCHUNK


def _gather_body(idx_hbm, table_hbm, out_hbm, idx_v, *bufs_and_sems):
    rows_v = bufs_and_sems[:_NCHUNK]
    sem_g = bufs_and_sems[_NCHUNK:2 * _NCHUNK]
    sem_w = bufs_and_sems[2 * _NCHUNK:]
    wid = lax.axis_index("s") * _NC + lax.axis_index("c")
    base = wid * _ROWS_PER_W
    pltpu.sync_copy(idx_hbm.at[pl.ds(base, _ROWS_PER_W)], idx_v)
    gathers = [
        pltpu.async_copy(
            table_hbm.at[idx_v.at[pl.ds(c * _CHUNK, _CHUNK)]], rows_v[c], sem_g[c]
        )
        for c in range(_NCHUNK)
    ]
    writes = []
    for c in range(_NCHUNK):
        gathers[c].wait()
        writes.append(
            pltpu.async_copy(
                rows_v[c], out_hbm.at[pl.ds(base + c * _CHUNK, _CHUNK)], sem_w[c]
            )
        )
    for w in writes:
        w.wait()


def _sc_gather(targets, features):
    mesh = plsc.VectorSubcoreMesh(core_axis_name="c", subcore_axis_name="s")
    k = pl.kernel(
        _gather_body,
        mesh=mesh,
        out_type=jax.ShapeDtypeStruct((BATCH, NUM_FEATURES), jnp.float32),
        scratch_types=[
            pltpu.VMEM((_ROWS_PER_W,), jnp.int32),
            *[pltpu.VMEM((_CHUNK, NUM_FEATURES), jnp.float32)] * _NCHUNK,
            *[pltpu.SemaphoreType.DMA] * (2 * _NCHUNK),
        ],
    )
    return k(targets.astype(jnp.int32), features)


_BLK = 256
_NBLK = BATCH // _BLK


def _norm_body(x_ref, xi_ref):
    x = x_ref[...]
    n = jnp.sqrt(jnp.sum(x * x, axis=1, keepdims=True))
    xi_ref[...] = (
        x * (jnp.float32(1.0 / TAU) / jnp.maximum(n, 1e-12))
    ).astype(jnp.bfloat16)


def _tc_norm(i_feats):
    return pl.pallas_call(
        _norm_body,
        grid=(_NBLK,),
        in_specs=[pl.BlockSpec((_BLK, NUM_FEATURES), lambda i: (i, 0))],
        out_specs=pl.BlockSpec((_BLK, NUM_FEATURES), lambda i: (i, 0)),
        out_shape=jax.ShapeDtypeStruct((BATCH, NUM_FEATURES), jnp.bfloat16),
    )(i_feats)


def _loss_body(xi_ref, cl_ref, trow_ref, tcolb_ref, out_ref,
               sumE_ref, sumES_ref, negr_ref, acc_ref, ssum_ref):
    j = pl.program_id(0)

    @pl.when(j == 0)
    def _init():
        sumE_ref[...] = jnp.zeros((BATCH, 1), jnp.float32)
        sumES_ref[...] = jnp.zeros((BATCH, 1), jnp.float32)
        negr_ref[...] = jnp.full((BATCH, 1), _NEG_INF, jnp.float32)
        acc_ref[0, 0] = jnp.float32(0.0)
        ssum_ref[0, 0] = jnp.float32(0.0)

    st = lax.dot_general(
        xi_ref[...], cl_ref[...].astype(jnp.bfloat16), (((1,), (1,)), ((), ())),
        preferred_element_type=jnp.float32,
    )
    labels = trow_ref[...] == tcolb_ref[...]
    E = jnp.where(labels, jnp.exp(st), 0.0)
    ES = E * st
    nm = jnp.where(labels, _NEG_INF, st)

    pos2 = jnp.sum(ES, axis=0, keepdims=True) / jnp.sum(E, axis=0, keepdims=True)
    neg2 = jnp.max(nm, axis=0, keepdims=True)
    c2 = jnp.maximum(MARGIN + jnp.float32(TAU) * (neg2 - pos2), 0.0)
    acc_ref[0, 0] += jnp.sum(c2)
    ssum_ref[0, 0] += jnp.sum(st)

    sumE_ref[...] += jnp.sum(E, axis=1, keepdims=True)
    sumES_ref[...] += jnp.sum(ES, axis=1, keepdims=True)
    negr_ref[...] = jnp.maximum(negr_ref[...], jnp.max(nm, axis=1, keepdims=True))

    @pl.when(j == _NBLK - 1)
    def _final():
        pos1 = sumES_ref[...] / sumE_ref[...]
        c1 = jnp.maximum(MARGIN + jnp.float32(TAU) * (negr_ref[...] - pos1), 0.0)
        tri = acc_ref[0, 0] + jnp.sum(c1)
        center = 1.0 - ssum_ref[0, 0] * jnp.float32(TAU / (BATCH * BATCH))
        out_ref[0, 0] = tri + 0.08 * center


def _tc_loss(xi, cl, targets):
    t = targets.astype(jnp.int32)
    out = pl.pallas_call(
        _loss_body,
        grid=(_NBLK,),
        in_specs=[
            pl.BlockSpec((BATCH, NUM_FEATURES), lambda j: (0, 0)),
            pl.BlockSpec((_BLK, NUM_FEATURES), lambda j: (j, 0)),
            pl.BlockSpec((BATCH, 1), lambda j: (0, 0)),
            pl.BlockSpec((1, _BLK), lambda j: (0, j)),
        ],
        out_specs=pl.BlockSpec((1, 1), lambda j: (0, 0), memory_space=pltpu.SMEM),
        out_shape=jax.ShapeDtypeStruct((1, 1), jnp.float32),
        scratch_shapes=[
            pltpu.VMEM((BATCH, 1), jnp.float32),
            pltpu.VMEM((BATCH, 1), jnp.float32),
            pltpu.VMEM((BATCH, 1), jnp.float32),
            pltpu.SMEM((1, 1), jnp.float32),
            pltpu.SMEM((1, 1), jnp.float32),
        ],
    )(xi, cl, t.reshape(BATCH, 1), t.reshape(1, BATCH))
    return out[0, 0]


def kernel(i_feats, targets, features):
    cl = _sc_gather(targets, features)
    xi = _tc_norm(i_feats)
    return _tc_loss(xi, cl, targets)

# --- scband reference (transcript-rebuilt; emitter-appended) ---
"""Pipeline reference for scband-cluster-memory-85126251807521 (READ-ONLY COPY).

The authoritative reference and input builder live on the scoring server;
editing this copy changes nothing except your own understanding.
"""

import jax, jax.numpy as jnp
import numpy as np

BATCH = 1024
NUM_FEATURES = 768
NUM_SAMPLES = 8192
MARGIN = 0.1
TAU = 0.02


def l2_normalize(x, axis=-1, eps=1e-12):
    n = jnp.sqrt(jnp.sum(x * x, axis=axis, keepdims=True))
    return x / jnp.maximum(n, eps)


def compute_trl(scores, pid, margin=0.1, tau=0.02):
    # Triplet Ranking Loss with softmax-weighted positives and hardest negatives
    labels = (pid[:, None] == pid[None, :]).astype(scores.dtype)
    neg_inf = jnp.asarray(-1e30, scores.dtype)
    st = scores.T
    logits1 = jnp.where(labels > 0, scores / tau, neg_inf)
    alpha1 = jax.lax.stop_gradient(jax.nn.softmax(logits1, axis=1))
    logits2 = jnp.where(labels > 0, st / tau, neg_inf)
    alpha2 = jax.lax.stop_gradient(jax.nn.softmax(logits2, axis=1))
    pos1 = jnp.sum(alpha1 * scores, axis=1)
    pos2 = jnp.sum(alpha2 * st, axis=1)
    neg1 = jnp.max(jnp.where(labels > 0, neg_inf, scores), axis=1)
    neg2 = jnp.max(jnp.where(labels > 0, neg_inf, st), axis=1)
    cost1 = jnp.maximum(margin + neg1 - pos1, 0.0)
    cost2 = jnp.maximum(margin + neg2 - pos2, 0.0)
    return jnp.sum(cost1 + cost2)


def setup_inputs(seed: int = 0) -> dict:
    key = jax.random.key(seed)
    k1, k2, k3 = jax.random.split(key, 3)
    i_feats = jax.random.normal(k1, (BATCH, NUM_FEATURES), dtype=jnp.float32)
    targets = jax.random.randint(k2, (BATCH,), 0, NUM_SAMPLES)
    # learned memory bank (registered buffer); initialized as L2-normalized centroids
    features = l2_normalize(jax.random.normal(k3, (NUM_SAMPLES, NUM_FEATURES), dtype=jnp.float32), axis=1)
    return {"i_feats": i_feats, "targets": targets, "features": features}


def reference(i_feats, targets, features):
    inputs_i = l2_normalize(i_feats, axis=1)
    # cm_hard forward: similarity against the full memory bank (computed in torch forward, unused by loss)
    outputs = inputs_i @ features.T
    # gather cluster centers for each target (the scatter-memory gather)
    cl_features = jnp.take(features, targets, axis=0)
    outputs1 = inputs_i @ cl_features.T
    tri_loss = compute_trl(outputs1, targets, MARGIN, TAU)
    cosine_distance = 1.0 - outputs1
    center_loss = jnp.mean(cosine_distance)
    return tri_loss + 0.08 * center_loss

if __name__ == "__main__":
    import jax
    _d = setup_inputs()
    print(jax.jit(kernel)(*tuple(_d.values())))

</pallas_src>

<mosaic_0001>
#map = affine_map<(d0, d1) -> (0)>
#map1 = affine_map<(d0, d1) -> (0, 0)>
module attributes {stable_mosaic.version = 14 : i64} {
  func.func @_gather_body(%arg0: i32, %arg1: i32, %arg2: memref<1024xi32, #tpu.memory_space<hbm>>, %arg3: memref<8192x768xf32, #tpu.memory_space<hbm>>, %arg4: memref<1024x768xf32, #tpu.memory_space<hbm>>, %arg5: memref<32xi32, #tpu.memory_space<vmem>>, %arg6: memref<8x768xf32, #tpu.memory_space<vmem>>, %arg7: memref<8x768xf32, #tpu.memory_space<vmem>>, %arg8: memref<8x768xf32, #tpu.memory_space<vmem>>, %arg9: memref<8x768xf32, #tpu.memory_space<vmem>>, %arg10: memref<!tpu.dma_semaphore, #tpu.memory_space<semaphore_mem>>, %arg11: memref<!tpu.dma_semaphore, #tpu.memory_space<semaphore_mem>>, %arg12: memref<!tpu.dma_semaphore, #tpu.memory_space<semaphore_mem>>, %arg13: memref<!tpu.dma_semaphore, #tpu.memory_space<semaphore_mem>>, %arg14: memref<!tpu.dma_semaphore, #tpu.memory_space<semaphore_mem>>, %arg15: memref<!tpu.dma_semaphore, #tpu.memory_space<semaphore_mem>>, %arg16: memref<!tpu.dma_semaphore, #tpu.memory_space<semaphore_mem>>, %arg17: memref<!tpu.dma_semaphore, #tpu.memory_space<semaphore_mem>>) attributes {dimension_semantics = [#tpu.dimension_semantics<core_parallel>, #tpu.dimension_semantics<subcore_parallel>], iteration_bounds = array<i64: 2, 16>, scalar_prefetch = 0 : i64, scratch_operands = 13 : i64, tpu.core_type = #tpu.core_type<sc_vector_subcore>, window_params = [{transform_indices = #map}, {transform_indices = #map1}, {transform_indices = #map1}]} {
    %mul3A = arith.constant 2 : i32
    %mul3A_0 = arith.muli %arg1, %mul3A : i32
    %add3A = arith.addi %mul3A_0, %arg0 : i32
    %mul3A_1 = arith.constant 32 : i32
    %mul3A_2 = arith.muli %add3A, %mul3A_1 : i32
    "tpu.region"() ({
      %run_scoped3A = tpu.sem_alloc : memref<!tpu.dma_semaphore, #tpu.memory_space<semaphore_mem>>
      %dma_start3A_81 = tpu.memref_slice %arg2[%mul3A_2] : memref<1024xi32, #tpu.memory_space<hbm>> -> memref<32xi32, #tpu.memory_space<hbm>>
      %dma_start3A_82 = tpu.memref_slice %arg2[%mul3A_2] : memref<1024xi32, #tpu.memory_space<hbm>> -> memref<32xi32, #tpu.memory_space<hbm>>
      tpu.enqueue_dma source(%dma_start3A_82 : memref<32xi32, #tpu.memory_space<hbm>>) target(%arg5 : memref<32xi32, #tpu.memory_space<vmem>>) target_semaphore(%run_scoped3A : memref<!tpu.dma_semaphore, #tpu.memory_space<semaphore_mem>>)
      %dma_wait3A_83 = tpu.memref_slice %arg2[%mul3A_2] : memref<1024xi32, #tpu.memory_space<hbm>> -> memref<32xi32, #tpu.memory_space<hbm>>
      %dma_wait3A_84 = tpu.memref_slice %arg2[%mul3A_2] : memref<1024xi32, #tpu.memory_space<hbm>> -> memref<32xi32, #tpu.memory_space<hbm>>
      tpu.wait_dma2 semaphore(%run_scoped3A : memref<!tpu.dma_semaphore, #tpu.memory_space<semaphore_mem>>) src(%dma_wait3A_84 : memref<32xi32, #tpu.memory_space<hbm>>) dst(%arg5 : memref<32xi32, #tpu.memory_space<vmem>>)
      tpu.yield
    }) : () -> ()
    %dma_start3A = arith.constant 0 : i32
    %dma_start3A_3 = tpu.memref_slice %arg5[%dma_start3A] : memref<32xi32, #tpu.memory_space<vmem>> -> memref<8xi32, #tpu.memory_space<vmem>>
    %dma_start3A_4 = arith.constant 0 : i32
    %dma_start3A_5 = arith.constant 0 : i32
    %dma_start3A_6 = tpu.memref_slice %arg3[%dma_start3A_4, %dma_start3A_5] : memref<8192x768xf32, #tpu.memory_space<hbm>> -> memref<8192x768xf32, #tpu.memory_space<hbm>>
    tpu.enqueue_indirect_dma source(%dma_start3A_6 : memref<8192x768xf32, #tpu.memory_space<hbm>>) target(%arg6 : memref<8x768xf32, #tpu.memory_space<vmem>>) offsets(%dma_start3A_3 : memref<8xi32, #tpu.memory_space<vmem>>) semaphore(%arg10 : memref<!tpu.dma_semaphore, #tpu.memory_space<semaphore_mem>>)
    %dma_start3A_7 = arith.constant 8 : i32
    %dma_start3A_8 = tpu.memref_slice %arg5[%dma_start3A_7] : memref<32xi32, #tpu.memory_space<vmem>> -> memref<8xi32, #tpu.memory_space<vmem>>
    %dma_start3A_9 = arith.constant 0 : i32
    %dma_start3A_10 = arith.constant 0 : i32
    %dma_start3A_11 = tpu.memref_slice %arg3[%dma_start3A_9, %dma_start3A_10] : memref<8192x768xf32, #tpu.memory_space<hbm>> -> memref<8192x768xf32, #tpu.memory_space<hbm>>
    tpu.enqueue_indirect_dma source(%dma_start3A_11 : memref<8192x768xf32, #tpu.memory_space<hbm>>) target(%arg7 : memref<8x768xf32, #tpu.memory_space<vmem>>) offsets(%dma_start3A_8 : memref<8xi32, #tpu.memory_space<vmem>>) semaphore(%arg11 : memref<!tpu.dma_semaphore, #tpu.memory_space<semaphore_mem>>)
    %dma_start3A_12 = arith.constant 16 : i32
    %dma_start3A_13 = tpu.memref_slice %arg5[%dma_start3A_12] : memref<32xi32, #tpu.memory_space<vmem>> -> memref<8xi32, #tpu.memory_space<vmem>>
    %dma_start3A_14 = arith.constant 0 : i32
    %dma_start3A_15 = arith.constant 0 : i32
    %dma_start3A_16 = tpu.memref_slice %arg3[%dma_start3A_14, %dma_start3A_15] : memref<8192x768xf32, #tpu.memory_space<hbm>> -> memref<8192x768xf32, #tpu.memory_space<hbm>>
    tpu.enqueue_indirect_dma source(%dma_start3A_16 : memref<8192x768xf32, #tpu.memory_space<hbm>>) target(%arg8 : memref<8x768xf32, #tpu.memory_space<vmem>>) offsets(%dma_start3A_13 : memref<8xi32, #tpu.memory_space<vmem>>) semaphore(%arg12 : memref<!tpu.dma_semaphore, #tpu.memory_space<semaphore_mem>>)
    %dma_start3A_17 = arith.constant 24 : i32
    %dma_start3A_18 = tpu.memref_slice %arg5[%dma_start3A_17] : memref<32xi32, #tpu.memory_space<vmem>> -> memref<8xi32, #tpu.memory_space<vmem>>
    %dma_start3A_19 = arith.constant 0 : i32
    %dma_start3A_20 = arith.constant 0 : i32
    %dma_start3A_21 = tpu.memref_slice %arg3[%dma_start3A_19, %dma_start3A_20] : memref<8192x768xf32, #tpu.memory_space<hbm>> -> memref<8192x768xf32, #tpu.memory_space<hbm>>
    tpu.enqueue_indirect_dma source(%dma_start3A_21 : memref<8192x768xf32, #tpu.memory_space<hbm>>) target(%arg9 : memref<8x768xf32, #tpu.memory_space<vmem>>) offsets(%dma_start3A_18 : memref<8xi32, #tpu.memory_space<vmem>>) semaphore(%arg13 : memref<!tpu.dma_semaphore, #tpu.memory_space<semaphore_mem>>)
    %dma_wait3A = arith.constant 0 : i32
    %dma_wait3A_22 = tpu.memref_slice %arg5[%dma_wait3A] : memref<32xi32, #tpu.memory_space<vmem>> -> memref<8xi32, #tpu.memory_space<vmem>>
    %dma_wait3A_23 = arith.constant 0 : i32
    %dma_wait3A_24 = arith.constant 0 : i32
    %dma_wait3A_25 = tpu.memref_slice %arg3[%dma_wait3A_23, %dma_wait3A_24] : memref<8192x768xf32, #tpu.memory_space<hbm>> -> memref<8192x768xf32, #tpu.memory_space<hbm>>
    tpu.wait_indirect_dma semaphore(%arg10 : memref<!tpu.dma_semaphore, #tpu.memory_space<semaphore_mem>>) src(%dma_wait3A_25 : memref<8192x768xf32, #tpu.memory_space<hbm>>) dst(%arg6 : memref<8x768xf32, #tpu.memory_space<vmem>>)
    %add3A_26 = arith.constant 0 : i32
    %add3A_27 = arith.addi %mul3A_2, %add3A_26 : i32
    %dma_start3A_28 = arith.constant 0 : i32
    %dma_start3A_29 = tpu.memref_slice %arg4[%add3A_27, %dma_start3A_28] : memref<1024x768xf32, #tpu.memory_space<hbm>> -> memref<8x768xf32, #tpu.memory_space<hbm>>
    %dma_start3A_30 = arith.constant 0 : i32
    %dma_start3A_31 = tpu.memref_slice %arg4[%add3A_27, %dma_start3A_30] : memref<1024x768xf32, #tpu.memory_space<hbm>> -> memref<8x768xf32, #tpu.memory_space<hbm>>
    tpu.enqueue_dma source(%arg6 : memref<8x768xf32, #tpu.memory_space<vmem>>) target(%dma_start3A_31 : memref<8x768xf32, #tpu.memory_space<hbm>>) target_semaphore(%arg14 : memref<!tpu.dma_semaphore, #tpu.memory_space<semaphore_mem>>)
    %dma_wait3A_32 = arith.constant 8 : i32
    %dma_wait3A_33 = tpu.memref_slice %arg5[%dma_wait3A_32] : memref<32xi32, #tpu.memory_space<vmem>> -> memref<8xi32, #tpu.memory_space<vmem>>
    %dma_wait3A_34 = arith.constant 0 : i32
    %dma_wait3A_35 = arith.constant 0 : i32
    %dma_wait3A_36 = tpu.memref_slice %arg3[%dma_wait3A_34, %dma_wait3A_35] : memref<8192x768xf32, #tpu.memory_space<hbm>> -> memref<8192x768xf32, #tpu.memory_space<hbm>>
    tpu.wait_indirect_dma semaphore(%arg11 : memref<!tpu.dma_semaphore, #tpu.memory_space<semaphore_mem>>) src(%dma_wait3A_36 : memref<8192x768xf32, #tpu.memory_space<hbm>>) dst(%arg7 : memref<8x768xf32, #tpu.memory_space<vmem>>)
    %add3A_37 = arith.constant 8 : i32
    %add3A_38 = arith.addi %mul3A_2, %add3A_37 : i32
    %dma_start3A_39 = arith.constant 0 : i32
    %dma_start3A_40 = tpu.memref_slice %arg4[%add3A_38, %dma_start3A_39] : memref<1024x768xf32, #tpu.memory_space<hbm>> -> memref<8x768xf32, #tpu.memory_space<hbm>>
    %dma_start3A_41 = arith.constant 0 : i32
    %dma_start3A_42 = tpu.memref_slice %arg4[%add3A_38, %dma_start3A_41] : memref<1024x768xf32, #tpu.memory_space<hbm>> -> memref<8x768xf32, #tpu.memory_space<hbm>>
    tpu.enqueue_dma source(%arg7 : memref<8x768xf32, #tpu.memory_space<vmem>>) target(%dma_start3A_42 : memref<8x768xf32, #tpu.memory_space<hbm>>) target_semaphore(%arg15 : memref<!tpu.dma_semaphore, #tpu.memory_space<semaphore_mem>>)
    %dma_wait3A_43 = arith.constant 16 : i32
    %dma_wait3A_44 = tpu.memref_slice %arg5[%dma_wait3A_43] : memref<32xi32, #tpu.memory_space<vmem>> -> memref<8xi32, #tpu.memory_space<vmem>>
    %dma_wait3A_45 = arith.constant 0 : i32
    %dma_wait3A_46 = arith.constant 0 : i32
    %dma_wait3A_47 = tpu.memref_slice %arg3[%dma_wait3A_45, %dma_wait3A_46] : memref<8192x768xf32, #tpu.memory_space<hbm>> -> memref<8192x768xf32, #tpu.memory_space<hbm>>
    tpu.wait_indirect_dma semaphore(%arg12 : memref<!tpu.dma_semaphore, #tpu.memory_space<semaphore_mem>>) src(%dma_wait3A_47 : memref<8192x768xf32, #tpu.memory_space<hbm>>) dst(%arg8 : memref<8x768xf32, #tpu.memory_space<vmem>>)
    %add3A_48 = arith.constant 16 : i32
    %add3A_49 = arith.addi %mul3A_2, %add3A_48 : i32
    %dma_start3A_50 = arith.constant 0 : i32
    %dma_start3A_51 = tpu.memref_slice %arg4[%add3A_49, %dma_start3A_50] : memref<1024x768xf32, #tpu.memory_space<hbm>> -> memref<8x768xf32, #tpu.memory_space<hbm>>
    %dma_start3A_52 = arith.constant 0 : i32
    %dma_start3A_53 = tpu.memref_slice %arg4[%add3A_49, %dma_start3A_52] : memref<1024x768xf32, #tpu.memory_space<hbm>> -> memref<8x768xf32, #tpu.memory_space<hbm>>
    tpu.enqueue_dma source(%arg8 : memref<8x768xf32, #tpu.memory_space<vmem>>) target(%dma_start3A_53 : memref<8x768xf32, #tpu.memory_space<hbm>>) target_semaphore(%arg16 : memref<!tpu.dma_semaphore, #tpu.memory_space<semaphore_mem>>)
    %dma_wait3A_54 = arith.constant 24 : i32
    %dma_wait3A_55 = tpu.memref_slice %arg5[%dma_wait3A_54] : memref<32xi32, #tpu.memory_space<vmem>> -> memref<8xi32, #tpu.memory_space<vmem>>
    %dma_wait3A_56 = arith.constant 0 : i32
    %dma_wait3A_57 = arith.constant 0 : i32
    %dma_wait3A_58 = tpu.memref_slice %arg3[%dma_wait3A_56, %dma_wait3A_57] : memref<8192x768xf32, #tpu.memory_space<hbm>> -> memref<8192x768xf32, #tpu.memory_space<hbm>>
    tpu.wait_indirect_dma semaphore(%arg13 : memref<!tpu.dma_semaphore, #tpu.memory_space<semaphore_mem>>) src(%dma_wait3A_58 : memref<8192x768xf32, #tpu.memory_space<hbm>>) dst(%arg9 : memref<8x768xf32, #tpu.memory_space<vmem>>)
    %add3A_59 = arith.constant 24 : i32
    %add3A_60 = arith.addi %mul3A_2, %add3A_59 : i32
    %dma_start3A_61 = arith.constant 0 : i32
    %dma_start3A_62 = tpu.memref_slice %arg4[%add3A_60, %dma_start3A_61] : memref<1024x768xf32, #tpu.memory_space<hbm>> -> memref<8x768xf32, #tpu.memory_space<hbm>>
    %dma_start3A_63 = arith.constant 0 : i32
    %dma_start3A_64 = tpu.memref_slice %arg4[%add3A_60, %dma_start3A_63] : memref<1024x768xf32, #tpu.memory_space<hbm>> -> memref<8x768xf32, #tpu.memory_space<hbm>>
    tpu.enqueue_dma source(%arg9 : memref<8x768xf32, #tpu.memory_space<vmem>>) target(%dma_start3A_64 : memref<8x768xf32, #tpu.memory_space<hbm>>) target_semaphore(%arg17 : memref<!tpu.dma_semaphore, #tpu.memory_space<semaphore_mem>>)
    %dma_wait3A_65 = arith.constant 0 : i32
    %dma_wait3A_66 = tpu.memref_slice %arg4[%add3A_27, %dma_wait3A_65] : memref<1024x768xf32, #tpu.memory_space<hbm>> -> memref<8x768xf32, #tpu.memory_space<hbm>>
    %dma_wait3A_67 = arith.constant 0 : i32
    %dma_wait3A_68 = tpu.memref_slice %arg4[%add3A_27, %dma_wait3A_67] : memref<1024x768xf32, #tpu.memory_space<hbm>> -> memref<8x768xf32, #tpu.memory_space<hbm>>
    tpu.wait_dma2 semaphore(%arg14 : memref<!tpu.dma_semaphore, #tpu.memory_space<semaphore_mem>>) src(%arg6 : memref<8x768xf32, #tpu.memory_space<vmem>>) dst(%dma_wait3A_68 : memref<8x768xf32, #tpu.memory_space<hbm>>)
    %dma_wait3A_69 = arith.constant 0 : i32
    %dma_wait3A_70 = tpu.memref_slice %arg4[%add3A_38, %dma_wait3A_69] : memref<1024x768xf32, #tpu.memory_space<hbm>> -> memref<8x768xf32, #tpu.memory_space<hbm>>
    %dma_wait3A_71 = arith.constant 0 : i32
    %dma_wait3A_72 = tpu.memref_slice %arg4[%add3A_38, %dma_wait3A_71] : memref<1024x768xf32, #tpu.memory_space<hbm>> -> memref<8x768xf32, #tpu.memory_space<hbm>>
    tpu.wait_dma2 semaphore(%arg15 : memref<!tpu.dma_semaphore, #tpu.memory_space<semaphore_mem>>) src(%arg7 : memref<8x768xf32, #tpu.memory_space<vmem>>) dst(%dma_wait3A_72 : memref<8x768xf32, #tpu.memory_space<hbm>>)
    %dma_wait3A_73 = arith.constant 0 : i32
    %dma_wait3A_74 = tpu.memref_slice %arg4[%add3A_49, %dma_wait3A_73] : memref<1024x768xf32, #tpu.memory_space<hbm>> -> memref<8x768xf32, #tpu.memory_space<hbm>>
    %dma_wait3A_75 = arith.constant 0 : i32
    %dma_wait3A_76 = tpu.memref_slice %arg4[%add3A_49, %dma_wait3A_75] : memref<1024x768xf32, #tpu.memory_space<hbm>> -> memref<8x768xf32, #tpu.memory_space<hbm>>
    tpu.wait_dma2 semaphore(%arg16 : memref<!tpu.dma_semaphore, #tpu.memory_space<semaphore_mem>>) src(%arg8 : memref<8x768xf32, #tpu.memory_space<vmem>>) dst(%dma_wait3A_76 : memref<8x768xf32, #tpu.memory_space<hbm>>)
    %dma_wait3A_77 = arith.constant 0 : i32
    %dma_wait3A_78 = tpu.memref_slice %arg4[%add3A_60, %dma_wait3A_77] : memref<1024x768xf32, #tpu.memory_space<hbm>> -> memref<8x768xf32, #tpu.memory_space<hbm>>
    %dma_wait3A_79 = arith.constant 0 : i32
    %dma_wait3A_80 = tpu.memref_slice %arg4[%add3A_60, %dma_wait3A_79] : memref<1024x768xf32, #tpu.memory_space<hbm>> -> memref<8x768xf32, #tpu.memory_space<hbm>>
    tpu.wait_dma2 semaphore(%arg17 : memref<!tpu.dma_semaphore, #tpu.memory_space<semaphore_mem>>) src(%arg9 : memref<8x768xf32, #tpu.memory_space<vmem>>) dst(%dma_wait3A_80 : memref<8x768xf32, #tpu.memory_space<hbm>>)
    return
  }
}

module attributes {stable_mosaic.version = 14 : i64} {
  func.func @_loss_body(%arg0: i32, %arg1: memref<1024x768xbf16, #tpu.memory_space<vmem>>, %arg2: memref<256x768xf32, #tpu.memory_space<vmem>>, %arg3: memref<1024x1xi32, #tpu.memory_space<vmem>>, %arg4: memref<1x256xi32, #tpu.memory_space<vmem>>, %arg5: memref<1x1xf32, #tpu.memory_space<smem>>, %arg6: memref<1024x1xf32, #tpu.memory_space<vmem>>, %arg7: memref<1024x1xf32, #tpu.memory_space<vmem>>, %arg8: memref<1024x1xf32, #tpu.memory_space<vmem>>, %arg9: memref<1x1xf32, #tpu.memory_space<smem>>, %arg10: memref<1x1xf32, #tpu.memory_space<smem>>) attributes {dimension_semantics = [#tpu.dimension_semantics<arbitrary>], iteration_bounds = array<i64: 4>, scalar_prefetch = 0 : i64, scratch_operands = 5 : i64, tpu.core_type = #tpu.core_type<tc>, window_params = [{pipeline_mode = #tpu.pipeline_mode<synchronous>, transform_indices = @transform_0, window_bounds = array<i64: 1024, 768>}, {transform_indices = @transform_1, window_bounds = array<i64: 256, 768>}, {pipeline_mode = #tpu.pipeline_mode<synchronous>, transform_indices = @transform_2, window_bounds = array<i64: 1024, 1>}, {transform_indices = @transform_3, window_bounds = array<i64: 1, 256>}, {transform_indices = @transform_4, window_bounds = array<i64: 1, 1>}]} {
    %eq3A = arith.constant 0 : i32
    %eq3A_0 = arith.cmpi eq, %arg0, %eq3A : i32
    %convert_element_type3A = arith.extui %eq3A_0 : i1 to i32
    %cond3A = arith.constant 0 : i32
    %cond3A_1 = arith.cmpi ne, %convert_element_type3A, %cond3A : i32
    scf.if %cond3A_1 {
      %broadcast_in_dim3A_93 = arith.constant 0.000000e+00 : f32
      %broadcast_in_dim3A_94 = vector.broadcast %broadcast_in_dim3A_93 : f32 to vector<1024x1xf32>
      %swap3A_95 = arith.constant 0 : index
      %swap3A_96 = arith.constant 0 : index
      %swap3A_97 = vector.load %arg6[%swap3A_95, %swap3A_96] : memref<1024x1xf32, #tpu.memory_space<vmem>>, vector<1024x1xf32>
      tpu.vector_store %arg6[%swap3A_95, %swap3A_96], %broadcast_in_dim3A_94 {strides = array<i32>} : memref<1024x1xf32, #tpu.memory_space<vmem>>, vector<1024x1xf32>,
      %broadcast_in_dim3A_98 = arith.constant 0.000000e+00 : f32
      %broadcast_in_dim3A_99 = vector.broadcast %broadcast_in_dim3A_98 : f32 to vector<1024x1xf32>
      %swap3A_100 = arith.constant 0 : index
      %swap3A_101 = arith.constant 0 : index
      %swap3A_102 = vector.load %arg7[%swap3A_100, %swap3A_101] : memref<1024x1xf32, #tpu.memory_space<vmem>>, vector<1024x1xf32>
      tpu.vector_store %arg7[%swap3A_100, %swap3A_101], %broadcast_in_dim3A_99 {strides = array<i32>} : memref<1024x1xf32, #tpu.memory_space<vmem>>, vector<1024x1xf32>,
      %broadcast_in_dim3A_103 = arith.constant -1.000000e+30 : f32
      %broadcast_in_dim3A_104 = vector.broadcast %broadcast_in_dim3A_103 : f32 to vector<1024x1xf32>
      %swap3A_105 = arith.constant 0 : index
      %swap3A_106 = arith.constant 0 : index
      %swap3A_107 = vector.load %arg8[%swap3A_105, %swap3A_106] : memref<1024x1xf32, #tpu.memory_space<vmem>>, vector<1024x1xf32>
      tpu.vector_store %arg8[%swap3A_105, %swap3A_106], %broadcast_in_dim3A_104 {strides = array<i32>} : memref<1024x1xf32, #tpu.memory_space<vmem>>, vector<1024x1xf32>,
      %swap3A_108 = arith.constant 0.000000e+00 : f32
      %swap3A_109 = arith.constant 0 : index
      %swap3A_110 = arith.constant 0 : index
      %swap3A_111 = memref.load %arg9[%swap3A_109, %swap3A_110] : memref<1x1xf32, #tpu.memory_space<smem>>
      memref.store %swap3A_108, %arg9[%swap3A_109, %swap3A_110] : memref<1x1xf32, #tpu.memory_space<smem>>
      %swap3A_112 = arith.constant 0.000000e+00 : f32
      %swap3A_113 = arith.constant 0 : index
      %swap3A_114 = arith.constant 0 : index
      %swap3A_115 = memref.load %arg10[%swap3A_113, %swap3A_114] : memref<1x1xf32, #tpu.memory_space<smem>>
      memref.store %swap3A_112, %arg10[%swap3A_113, %swap3A_114] : memref<1x1xf32, #tpu.memory_space<smem>>
    } else {
    }
    %get3A = arith.constant 0 : index
    %get3A_2 = arith.constant 0 : index
    %get3A_3 = vector.load %arg1[%get3A, %get3A_2] : memref<1024x768xbf16, #tpu.memory_space<vmem>>, vector<1024x768xbf16>
    %get3A_4 = arith.constant 0 : index
    %get3A_5 = arith.constant 0 : index
    %get3A_6 = vector.load %arg2[%get3A_4, %get3A_5] : memref<256x768xf32, #tpu.memory_space<vmem>>, vector<256x768xf32>
    %convert_element_type3A_7 = arith.truncf %get3A_6 : vector<256x768xf32> to vector<256x768xbf16>
    %dot_general3A = arith.constant dense<0.000000e+00> : vector<1024x256xf32>
    %dot_general3A_8 = tpu.matmul %get3A_3, %convert_element_type3A_7, %dot_general3A {dimension_numbers = #tpu.dot_dimension_numbers<[1], [1], [0], [0], [0, 0, 1, 0], [], []>, transpose_lhs_hint = false} : vector<1024x768xbf16>, vector<256x768xbf16>, vector<1024x256xf32> -> vector<1024x256xf32>
    %get3A_9 = arith.constant 0 : index
    %get3A_10 = arith.constant 0 : index
    %get3A_11 = vector.load %arg3[%get3A_9, %get3A_10] : memref<1024x1xi32, #tpu.memory_space<vmem>>, vector<1024x1xi32>
    %get3A_12 = arith.constant 0 : index
    %get3A_13 = arith.constant 0 : index
    %get3A_14 = vector.load %arg4[%get3A_12, %get3A_13] : memref<1x256xi32, #tpu.memory_space<vmem>>, vector<1x256xi32>
    %eq3A_15 = vector.broadcast %get3A_11 : vector<1024x1xi32> to vector<1024x256xi32>
    %eq3A_16 = vector.broadcast %get3A_14 : vector<1x256xi32> to vector<1024x256xi32>
    %eq3A_17 = arith.cmpi eq, %eq3A_15, %eq3A_16 : vector<1024x256xi32>
    %exp3A = math.exp %dot_general3A_8 : vector<1024x256xf32>
    %jit3A = arith.constant 0.000000e+00 : f32
    %broadcast_in_dim3A = vector.broadcast %jit3A : f32 to vector<1024x256xf32>
    %select_n3A = arith.select %eq3A_17, %exp3A, %broadcast_in_dim3A : vector<1024x256xi1>, vector<1024x256xf32>
    %mul3A = arith.mulf %select_n3A, %dot_general3A_8 : vector<1024x256xf32>
    %jit3A_18 = arith.constant -1.000000e+30 : f32
    %broadcast_in_dim3A_19 = vector.broadcast %jit3A_18 : f32 to vector<1024x256xf32>
    %select_n3A_20 = arith.select %eq3A_17, %broadcast_in_dim3A_19, %dot_general3A_8 : vector<1024x256xi1>, vector<1024x256xf32>
    %reduce_sum3A = arith.constant dense<0.000000e+00> : vector<256xf32>
    %reduce_sum3A_21 = vector.multi_reduction <add>, %mul3A, %reduce_sum3A [0] : vector<1024x256xf32> to vector<256xf32>
    %broadcast_in_dim3A_22 = vector.shape_cast %reduce_sum3A_21 : vector<256xf32> to vector<1x256xf32>
    %reduce_sum3A_23 = arith.constant dense<0.000000e+00> : vector<256xf32>
    %reduce_sum3A_24 = vector.multi_reduction <add>, %select_n3A, %reduce_sum3A_23 [0] : vector<1024x256xf32> to vector<256xf32>
    %broadcast_in_dim3A_25 = vector.shape_cast %reduce_sum3A_24 : vector<256xf32> to vector<1x256xf32>
    %div3A = arith.divf %broadcast_in_dim3A_22, %broadcast_in_dim3A_25 : vector<1x256xf32>
    %reduce_max3A = arith.constant dense<0xFF800000> : vector<256xf32>
    %reduce_max3A_26 = vector.multi_reduction <maximumf>, %select_n3A_20, %reduce_max3A [0] : vector<1024x256xf32> to vector<256xf32>
    %broadcast_in_dim3A_27 = vector.shape_cast %reduce_max3A_26 : vector<256xf32> to vector<1x256xf32>
    %sub3A = arith.subf %broadcast_in_dim3A_27, %div3A : vector<1x256xf32>
    %mul3A_28 = arith.constant 2.000000e-02 : f32
    %mul3A_29 = vector.broadcast %mul3A_28 : f32 to vector<1x256xf32>
    %mul3A_30 = arith.mulf %mul3A_29, %sub3A : vector<1x256xf32>
    %add3A = arith.constant 1.000000e-01 : f32
    %add3A_31 = vector.broadcast %add3A : f32 to vector<1x256xf32>
    %add3A_32 = arith.addf %add3A_31, %mul3A_30 : vector<1x256xf32>
    %max3A = arith.constant 0.000000e+00 : f32
    %max3A_33 = vector.broadcast %max3A : f32 to vector<1x256xf32>
    %max3A_34 = arith.maximumf %add3A_32, %max3A_33 : vector<1x256xf32>
    %get3A_35 = arith.constant 0 : index
    %get3A_36 = arith.constant 0 : index
    %get3A_37 = memref.load %arg9[%get3A_35, %get3A_36] : memref<1x1xf32, #tpu.memory_space<smem>>
    %reduce_sum3A_38 = vector.shape_cast %max3A_34 : vector<1x256xf32> to vector<1x1x256xf32>
    %reduce_sum3A_39 = arith.constant dense<0.000000e+00> : vector<1xf32>
    %reduce_sum3A_40 = vector.multi_reduction <add>, %reduce_sum3A_38, %reduce_sum3A_39 [1, 2] : vector<1x1x256xf32> to vector<1xf32>
    %reduce_sum3A_41 = vector.shape_cast %reduce_sum3A_40 : vector<1xf32> to vector<1x1x1xf32>
    %reduce_sum3A_42 = vector.extract %reduce_sum3A_41[0, 0, 0] : f32 from vector<1x1x1xf32>
    %add3A_43 = arith.addf %get3A_37, %reduce_sum3A_42 : f32
    %swap3A = arith.constant 0 : index
    %swap3A_44 = arith.constant 0 : index
    %swap3A_45 = memref.load %arg9[%swap3A, %swap3A_44] : memref<1x1xf32, #tpu.memory_space<smem>>
    memref.store %add3A_43, %arg9[%swap3A, %swap3A_44] : memref<1x1xf32, #tpu.memory_space<smem>>
    %get3A_46 = arith.constant 0 : index
    %get3A_47 = arith.constant 0 : index
    %get3A_48 = memref.load %arg10[%get3A_46, %get3A_47] : memref<1x1xf32, #tpu.memory_space<smem>>
    %reduce_sum3A_49 = vector.shape_cast %dot_general3A_8 : vector<1024x256xf32> to vector<1x1024x256xf32>
    %reduce_sum3A_50 = arith.constant dense<0.000000e+00> : vector<1xf32>
    %reduce_sum3A_51 = vector.multi_reduction <add>, %reduce_sum3A_49, %reduce_sum3A_50 [1, 2] : vector<1x1024x256xf32> to vector<1xf32>
    %reduce_sum3A_52 = vector.shape_cast %reduce_sum3A_51 : vector<1xf32> to vector<1x1x1xf32>
    %reduce_sum3A_53 = vector.extract %reduce_sum3A_52[0, 0, 0] : f32 from vector<1x1x1xf32>
    %add3A_54 = arith.addf %get3A_48, %reduce_sum3A_53 : f32
    %swap3A_55 = arith.constant 0 : index
    %swap3A_56 = arith.constant 0 : index
    %swap3A_57 = memref.load %arg10[%swap3A_55, %swap3A_56] : memref<1x1xf32, #tpu.memory_space<smem>>
    memref.store %add3A_54, %arg10[%swap3A_55, %swap3A_56] : memref<1x1xf32, #tpu.memory_space<smem>>
    %get3A_58 = arith.constant 0 : index
    %get3A_59 = arith.constant 0 : index
    %get3A_60 = vector.load %arg6[%get3A_58, %get3A_59] : memref<1024x1xf32, #tpu.memory_space<vmem>>, vector<1024x1xf32>
    %reduce_sum3A_61 = arith.constant dense<0.000000e+00> : vector<1024xf32>
    %reduce_sum3A_62 = vector.multi_reduction <add>, %select_n3A, %reduce_sum3A_61 [1] : vector<1024x256xf32> to vector<1024xf32>
    %broadcast_in_dim3A_63 = vector.shape_cast %reduce_sum3A_62 : vector<1024xf32> to vector<1024x1xf32>
    %add3A_64 = arith.addf %get3A_60, %broadcast_in_dim3A_63 : vector<1024x1xf32>
    %swap3A_65 = arith.constant 0 : index
    %swap3A_66 = arith.constant 0 : index
    %swap3A_67 = vector.load %arg6[%swap3A_65, %swap3A_66] : memref<1024x1xf32, #tpu.memory_space<vmem>>, vector<1024x1xf32>
    tpu.vector_store %arg6[%swap3A_65, %swap3A_66], %add3A_64 {strides = array<i32>} : memref<1024x1xf32, #tpu.memory_space<vmem>>, vector<1024x1xf32>,
    %get3A_68 = arith.constant 0 : index
    %get3A_69 = arith.constant 0 : index
    %get3A_70 = vector.load %arg7[%get3A_68, %get3A_69] : memref<1024x1xf32, #tpu.memory_space<vmem>>, vector<1024x1xf32>
    %reduce_sum3A_71 = arith.constant dense<0.000000e+00> : vector<1024xf32>
    %reduce_sum3A_72 = vector.multi_reduction <add>, %mul3A, %reduce_sum3A_71 [1] : vector<1024x256xf32> to vector<1024xf32>
    %broadcast_in_dim3A_73 = vector.shape_cast %reduce_sum3A_72 : vector<1024xf32> to vector<1024x1xf32>
    %add3A_74 = arith.addf %get3A_70, %broadcast_in_dim3A_73 : vector<1024x1xf32>
    %swap3A_75 = arith.constant 0 : index
    %swap3A_76 = arith.constant 0 : index
    %swap3A_77 = vector.load %arg7[%swap3A_75, %swap3A_76] : memref<1024x1xf32, #tpu.memory_space<vmem>>, vector<1024x1xf32>
    tpu.vector_store %arg7[%swap3A_75, %swap3A_76], %add3A_74 {strides = array<i32>} : memref<1024x1xf32, #tpu.memory_space<vmem>>, vector<1024x1xf32>,
    %get3A_78 = arith.constant 0 : index
    %get3A_79 = arith.constant 0 : index
    %get3A_80 = vector.load %arg8[%get3A_78, %get3A_79] : memref<1024x1xf32, #tpu.memory_space<vmem>>, vector<1024x1xf32>
    %reduce_max3A_81 = arith.constant dense<0xFF800000> : vector<1024xf32>
    %reduce_max3A_82 = vector.multi_reduction <maximumf>, %select_n3A_20, %reduce_max3A_81 [1] : vector<1024x256xf32> to vector<1024xf32>
    %broadcast_in_dim3A_83 = vector.shape_cast %reduce_max3A_82 : vector<1024xf32> to vector<1024x1xf32>
    %max3A_84 = arith.maximumf %get3A_80, %broadcast_in_dim3A_83 : vector<1024x1xf32>
    %swap3A_85 = arith.constant 0 : index
    %swap3A_86 = arith.constant 0 : index
    %swap3A_87 = vector.load %arg8[%swap3A_85, %swap3A_86] : memref<1024x1xf32, #tpu.memory_space<vmem>>, vector<1024x1xf32>
    tpu.vector_store %arg8[%swap3A_85, %swap3A_86], %max3A_84 {strides = array<i32>} : memref<1024x1xf32, #tpu.memory_space<vmem>>, vector<1024x1xf32>,
    %eq3A_88 = arith.constant 3 : i32
    %eq3A_89 = arith.cmpi eq, %arg0, %eq3A_88 : i32
    %convert_element_type3A_90 = arith.extui %eq3A_89 : i1 to i32
    %cond3A_91 = arith.constant 0 : i32
    %cond3A_92 = arith.cmpi ne, %convert_element_type3A_90, %cond3A_91 : i32
    scf.if %cond3A_92 {
      %get3A_93 = arith.constant 0 : index
      %get3A_94 = arith.constant 0 : index
      %get3A_95 = vector.load %arg7[%get3A_93, %get3A_94] : memref<1024x1xf32, #tpu.memory_space<vmem>>, vector<1024x1xf32>
      %get3A_96 = arith.constant 0 : index
      %get3A_97 = arith.constant 0 : index
      %get3A_98 = vector.load %arg6[%get3A_96, %get3A_97] : memref<1024x1xf32, #tpu.memory_space<vmem>>, vector<1024x1xf32>
      %div3A_99 = arith.divf %get3A_95, %get3A_98 : vector<1024x1xf32>
      %get3A_100 = arith.constant 0 : index
      %get3A_101 = arith.constant 0 : index
      %get3A_102 = vector.load %arg8[%get3A_100, %get3A_101] : memref<1024x1xf32, #tpu.memory_space<vmem>>, vector<1024x1xf32>
      %sub3A_103 = arith.subf %get3A_102, %div3A_99 : vector<1024x1xf32>
      %mul3A_104 = arith.constant 2.000000e-02 : f32
      %mul3A_105 = vector.broadcast %mul3A_104 : f32 to vector<1024x1xf32>
      %mul3A_106 = arith.mulf %mul3A_105, %sub3A_103 : vector<1024x1xf32>
      %add3A_107 = arith.constant 1.000000e-01 : f32
      %add3A_108 = vector.broadcast %add3A_107 : f32 to vector<1024x1xf32>
      %add3A_109 = arith.addf %add3A_108, %mul3A_106 : vector<1024x1xf32>
      %max3A_110 = arith.constant 0.000000e+00 : f32
      %max3A_111 = vector.broadcast %max3A_110 : f32 to vector<1024x1xf32>
      %max3A_112 = arith.maximumf %add3A_109, %max3A_111 : vector<1024x1xf32>
      %get3A_113 = arith.constant 0 : index
      %get3A_114 = arith.constant 0 : index
      %get3A_115 = memref.load %arg9[%get3A_113, %get3A_114] : memref<1x1xf32, #tpu.memory_space<smem>>
      %reduce_sum3A_116 = vector.shape_cast %max3A_112 : vector<1024x1xf32> to vector<1x1024x1xf32>
      %reduce_sum3A_117 = arith.constant dense<0.000000e+00> : vector<1xf32>
      %reduce_sum3A_118 = vector.multi_reduction <add>, %reduce_sum3A_116, %reduce_sum3A_117 [1, 2] : vector<1x1024x1xf32> to vector<1xf32>
      %reduce_sum3A_119 = vector.shape_cast %reduce_sum3A_118 : vector<1xf32> to vector<1x1x1xf32>
      %reduce_sum3A_120 = vector.extract %reduce_sum3A_119[0, 0, 0] : f32 from vector<1x1x1xf32>
      %add3A_121 = arith.addf %get3A_115, %reduce_sum3A_120 : f32
      %get3A_122 = arith.constant 0 : index
      %get3A_123 = arith.constant 0 : index
      %get3A_124 = memref.load %arg10[%get3A_122, %get3A_123] : memref<1x1xf32, #tpu.memory_space<smem>>
      %mul3A_125 = arith.constant 1.90734859E-8 : f32
      %mul3A_126 = arith.mulf %get3A_124, %mul3A_125 : f32
      %sub3A_127 = arith.constant 1.000000e+00 : f32
      %sub3A_128 = arith.subf %sub3A_127, %mul3A_126 : f32
      %mul3A_129 = arith.constant 8.000000e-02 : f32
      %mul3A_130 = arith.mulf %mul3A_129, %sub3A_128 : f32
      %add3A_131 = arith.addf %add3A_121, %mul3A_130 : f32
      %swap3A_132 = arith.constant 0 : index
      %swap3A_133 = arith.constant 0 : index
      %swap3A_134 = memref.load %arg5[%swap3A_132, %swap3A_133] : memref<1x1xf32, #tpu.memory_space<smem>>
      memref.store %add3A_131, %arg5[%swap3A_132, %swap3A_133] : memref<1x1xf32, #tpu.memory_space<smem>>
    } else {
    }
    return
  }
  func.func @transform_0(%arg0: i32) -> (i32, i32) {
    %c0_i32 = arith.constant 0 : i32
    %c0_i32_0 = arith.constant 0 : i32
    %c0_i32_1 = arith.constant 0 : i32
    return %c0_i32, %c0_i32_0 : i32, i32
  }
  func.func @transform_1(%arg0: i32) -> (i32, i32) {
    %c0_i32 = arith.constant 0 : i32
    %c0_i32_0 = arith.constant 0 : i32
    return %arg0, %c0_i32 : i32, i32
  }
  func.func @transform_2(%arg0: i32) -> (i32, i32) {
    %c0_i32 = arith.constant 0 : i32
    %c0_i32_0 = arith.constant 0 : i32
    %c0_i32_1 = arith.constant 0 : i32
    return %c0_i32, %c0_i32_0 : i32, i32
  }
  func.func @transform_3(%arg0: i32) -> (i32, i32) {
    %c0_i32 = arith.constant 0 : i32
    %c0_i32_0 = arith.constant 0 : i32
    return %c0_i32, %arg0 : i32, i32
  }
  func.func @transform_4(%arg0: i32) -> (i32, i32) {
    %c0_i32 = arith.constant 0 : i32
    %c0_i32_0 = arith.constant 0 : i32
    %c0_i32_1 = arith.constant 0 : i32
    return %c0_i32, %c0_i32_0 : i32, i32
  }
}

module attributes {stable_mosaic.version = 14 : i64} {
  func.func @_norm_body(%arg0: i32, %arg1: memref<256x768xf32, #tpu.memory_space<vmem>>, %arg2: memref<256x768xbf16, #tpu.memory_space<vmem>>) attributes {dimension_semantics = [#tpu.dimension_semantics<arbitrary>], iteration_bounds = array<i64: 4>, scalar_prefetch = 0 : i64, scratch_operands = 0 : i64, tpu.core_type = #tpu.core_type<tc>, window_params = [{transform_indices = @transform_0, window_bounds = array<i64: 256, 768>}, {transform_indices = @transform_1, window_bounds = array<i64: 256, 768>}]} {
    %get3A = arith.constant 0 : index
    %get3A_0 = arith.constant 0 : index
    %get3A_1 = vector.load %arg1[%get3A, %get3A_0] : memref<256x768xf32, #tpu.memory_space<vmem>>, vector<256x768xf32>
    %mul3A = arith.mulf %get3A_1, %get3A_1 : vector<256x768xf32>
    %reduce_sum3A = arith.constant dense<0.000000e+00> : vector<256xf32>
    %reduce_sum3A_2 = vector.multi_reduction <add>, %mul3A, %reduce_sum3A [1] : vector<256x768xf32> to vector<256xf32>
    %broadcast_in_dim3A = vector.shape_cast %reduce_sum3A_2 : vector<256xf32> to vector<256x1xf32>
    %sqrt3A = math.sqrt %broadcast_in_dim3A : vector<256x1xf32>
    %max3A = arith.constant 9.99999996E-13 : f32
    %max3A_3 = vector.broadcast %max3A : f32 to vector<256x1xf32>
    %max3A_4 = arith.maximumf %sqrt3A, %max3A_3 : vector<256x1xf32>
    %div3A = arith.constant 5.000000e+01 : f32
    %div3A_5 = vector.broadcast %div3A : f32 to vector<256x1xf32>
    %div3A_6 = arith.divf %div3A_5, %max3A_4 : vector<256x1xf32>
    %mul3A_7 = vector.broadcast %div3A_6 : vector<256x1xf32> to vector<256x768xf32>
    %mul3A_8 = arith.mulf %get3A_1, %mul3A_7 : vector<256x768xf32>
    %convert_element_type3A = arith.truncf %mul3A_8 : vector<256x768xf32> to vector<256x768xbf16>
    %swap3A = arith.constant 0 : index
    %swap3A_9 = arith.constant 0 : index
    %swap3A_10 = vector.load %arg2[%swap3A, %swap3A_9] : memref<256x768xbf16, #tpu.memory_space<vmem>>, vector<256x768xbf16>
    tpu.vector_store %arg2[%swap3A, %swap3A_9], %convert_element_type3A {strides = array<i32>} : memref<256x768xbf16, #tpu.memory_space<vmem>>, vector<256x768xbf16>,
    return
  }
  func.func @transform_0(%arg0: i32) -> (i32, i32) {
    %c0_i32 = arith.constant 0 : i32
    %c0_i32_0 = arith.constant 0 : i32
    return %arg0, %c0_i32 : i32, i32
  }
  func.func @transform_1(%arg0: i32) -> (i32, i32) {
    %c0_i32 = arith.constant 0 : i32
    %c0_i32_0 = arith.constant 0 : i32
    return %arg0, %c0_i32 : i32, i32
  }
}

</mosaic_0001>

<sc_bundles>
// kernel: kernel.5.cloned.1.call-start
scs
__scs_entry_jumppad:
0x0: {  	(pc) =	sbr.rel $0x88, $3  }
0x1: {  	(tag) =	ssettag $0x0;
	lr =	simm.s32 $0x1  }
0x2: {  	[smem:$0x3F9E] =	sst lr;
	_ =	strace $0xD0000000  }
0x3: {  	_ = 	snop  }
0x4: {  	_ = 	snop  }
0x5: {  	_ = 	snop  }
0x6: {  	_ = 	snop  }
0x7: {  	_ = 	snop  }
__scs_overlays_trampoline_lowered:
0x8: {  	[smem:$0x3FAD] =	sst s0  }
0x9: {  	[smem:$0x3FAE] =	sst s1  }
0xa: {  	[smem:$0x3FAF] =	sst s2  }
0xb: {  	[smem:$0x3FB0] =	sst s3  }
0xc: {  	[smem:$0x3FB1] =	sst s4  }
0xd: {  	[smem:$0x3FB2] =	sst s5  }
0xe: {  	[smem:$0x3FB3] =	sst s6  }
0xf: {  	[smem:$0x3FB4] =	sst s7  }
0x10: {  	[smem:$0x3FB5] =	sst s8  }
0x11: {  	[smem:$0x3FB6] =	sst s9;
	s0 =	simm.s32 @!p0 $0x0  }
0x12: {  	s1 =	sld [smem:$0x3F9C];
	s0 =	simm.s32 @p0 $0x1  }
0x13: {  	[smem:$0x3FB7] =	sst s0;
	s0 =	simm.s32 @!p1 $0x0  }
0x14: {  	s2 =	sld [smem:$0x3F9B];
	s0 =	simm.s32 @p1 $0x1  }
0x15: {  	[smem:$0x3FB8] =	sst s0;
	s0 =	simm.s32 @!p2 $0x0  }
0x16: {  	s3 =	sld [smem:$0x3FDB];
	s0 =	simm.s32 @p2 $0x1  }
0x17: {  	s4 =	simm.s32 $0x1BF5;
	[smem:$0x3FBA] =	sst s0  }
0x18: {  	s0 =	sld [smem:$0x3F9D];
	_ =	swait.ge [sflag:s4], $0x0  }
0x19: {  	s7 =	sld [smem:$0x3F9E]  }
0x1a: {  	s8 =	sadd.s32 $0xFFFFE003, lr  }
0x1b: {  	s9 =	sadd.s32 $0xFFFFFEF7, lr;
	s5 =	simm.s32 $0xFFFFFFFF;
	p2 =	slt.u32 s8, $0xFFFFF086  }
0x1c: {  	p1 =	slt.u32 s9, $0xF7A;
	s5 =	simm.s32 @!p2 $0x0  }
0x1d: {  	s5 =	simm.s32 @p1 $0x1;
	p0 =	seq.s32 s7, s2  }
0x1e: {  	s7 =	smul.u32 @!p0 $0xF7A, s2;
	p2 =	seq.s32 @!p0 s5, $0x0  }
0x1f: {  	s9 =	smul.u32 $0xF7A, s1;
	s8 =	simm.s32 @!p0 $0x1BF5;
	p2 =	por !p2, p0  }
0x20: {  	[sflag:s8] =	ssyncset.s32 @!p0 $0xFFFFF086;
	s6 =	sadd.s32 @!p0 s3, s7;
	s7 =	simm.s32 @!p0 $0x108  }
0x21: {  	s3 =	sadd.s32 s3, s9;
	s6 =	sadd.s32 @!p0 $0x88, s6;
	s7 =	simm.s32 @p2 $0x1082  }
0x22: {  	[simem:s7], [sflag:s8] =	dma.local @!p0 [hbm:s6], $0xF7A  }
0x23: {  	s9 =	sor.u32 $0xD0000000, s2;
	s6 =	simm.s32 $0x108;
	_ =	swait.ge @!p0 [sflag:s8], $0x0  }
0x24: {  	s3 =	sadd.s32 $0x88, s3;
	s6 =	simm.s32 @!p1 $0x1082;
	[sflag:s4] =	ssyncset.s32 $0xFFFFF086  }
0x25: {  	[simem:s6], [sflag:s4] =	dma.local [hbm:s3], $0xF7A  }
0x26: {  	[smem:$0x3F9E] =	sst s1;
	(tag) =	ssettag s2;
	_ =	strace s9  }
0x27: {  	s1 =	sld [smem:$0x3FAE]  }
0x28: {  	s2 =	sld [smem:$0x3FAF]  }
0x29: {  	s4 =	sld [smem:$0x3FB1]  }
0x2a: {  	p0 =	seq.s32 s5, $0x0;
	s5 =	sld [smem:$0x3FB2]  }
0x2b: {  	s6 =	sld [smem:$0x3FB3]  }
0x2c: {  	s7 =	sld [smem:$0x3FB4]  }
0x2d: {  	s3 =	simm.s32 $0x108;
	s8 =	sld [smem:$0x3FB5]  }
0x2e: {  	s3 =	simm.s32 @!p0 $0x1082;
	s9 =	sld [smem:$0x3FB6]  }
0x2f: {  	lr =	sadd.s32 s0, s3;
	s0 =	sld [smem:$0x3FAD]  }
0x30: {  	s3 =	sld [smem:$0x3FB0]  }
0x31: {  	[smem:$0x3FB9] =	sst s10  }
0x32: {  	s10 =	sld [smem:$0x3FB7];
	_ =	sdelay $0x3  }
0x33: {  	p0 =	seq.s32 s10, $0x1;
	s10 =	sld [smem:$0x3FB9];
	_ =	sdelay $0x3  }
0x34: {  	[smem:$0x3FB9] =	sst s10  }
0x35: {  	s10 =	sld [smem:$0x3FB8];
	_ =	sdelay $0x3  }
0x36: {  	p1 =	seq.s32 s10, $0x1;
	s10 =	sld [smem:$0x3FB9];
	_ =	sdelay $0x3  }
0x37: {  	[smem:$0x3FB9] =	sst s10  }
0x38: {  	s10 =	sld [smem:$0x3FBA]  }
0x39: {  	_ = 	snop;
	(pc) =	sbr.ind lr, $3  }
0x3a: {  	_ = 	snop  }
0x3b: {  	_ = 	snop  }
0x3c: {  	p2 =	seq.s32 s10, $0x1;
	s10 =	sld [smem:$0x3FB9]  }
0x3d: {  	_ =	shalt  }
0x3e: {  	_ =	shalt  }
0x3f: {  	_ =	shalt  }
0x40: {  	_ =	shalt  }
0x41: {  	_ =	shalt  }
0x42: {  	_ =	shalt  }
0x43: {  	_ =	shalt  }
0x44: {  	_ =	shalt  }
0x45: {  	_ =	shalt  }
0x46: {  	_ =	shalt  }
0x47: {  	_ =	shalt  }
0x48: {  	_ =	shalt  }
0x49: {  	_ =	shalt  }
0x4a: {  	_ =	shalt  }
0x4b: {  	_ =	shalt  }
0x4c: {  	_ =	shalt  }
0x4d: {  	_ =	shalt  }
0x4e: {  	_ =	shalt  }
0x4f: {  	_ =	shalt  }
0x50: {  	_ =	shalt  }
0x51: {  	_ =	shalt  }
0x52: {  	_ =	shalt  }
0x53: {  	_ =	shalt  }
0x54: {  	_ =	shalt  }
0x55: {  	_ =	shalt  }
0x56: {  	_ =	shalt  }
0x57: {  	_ =	shalt  }
0x58: {  	_ =	shalt  }
0x59: {  	_ =	shalt  }
0x5a: {  	_ =	shalt  }
0x5b: {  	_ =	shalt  }
0x5c: {  	_ =	shalt  }
0x5d: {  	_ =	shalt  }
0x5e: {  	_ =	shalt  }
0x5f: {  	_ =	shalt  }
0x60: {  	_ =	shalt  }
0x61: {  	_ =	shalt  }
0x62: {  	_ =	shalt  }
0x63: {  	_ =	shalt  }
0x64: {  	_ =	shalt  }
0x65: {  	_ =	shalt  }
0x66: {  	_ =	shalt  }
0x67: {  	_ =	shalt  }
0x68: {  	_ =	shalt  }
0x69: {  	_ =	shalt  }
0x6a: {  	_ =	shalt  }
0x6b: {  	_ =	shalt  }
0x6c: {  	_ =	shalt  }
0x6d: {  	_ =	shalt  }
0x6e: {  	_ =	shalt  }
0x6f: {  	_ =	shalt  }
0x70: {  	_ =	shalt  }
0x71: {  	_ =	shalt  }
0x72: {  	_ =	shalt  }
0x73: {  	_ =	shalt  }
0x74: {  	_ =	shalt  }
0x75: {  	_ =	shalt  }
0x76: {  	_ =	shalt  }
0x77: {  	_ =	shalt  }
0x78: {  	_ =	shalt  }
0x79: {  	_ =	shalt  }
0x7a: {  	_ =	shalt  }
0x7b: {  	_ =	shalt  }
0x7c: {  	_ =	shalt  }
0x7d: {  	_ =	shalt  }
0x7e: {  	_ =	shalt  }
0x7f: {  	_ =	shalt  }
0x80: {  	_ =	shalt  }
0x81: {  	_ =	shalt  }
0x82: {  	_ =	shalt  }
0x83: {  	_ =	shalt  }
0x84: {  	_ =	shalt  }
0x85: {  	_ =	shalt  }
0x86: {  	_ =	shalt  }
0x87: {  	_ =	shalt  }
.Lfunc_end0:
.L_simem_size_0:
called_computation_lowered:
.L_overlay_start_0:
0x88: {  	s2 =	sld [smem:$0x3FD9]  }
0x89: {  	s3 =	sld [smem:$0x3FFE];
	_ =	sdelay $0x1  }
0x8a: {  	s1 =	srdreg.scid  }
0x8b: {  	s0 =	sand.u32 $0x1, s1  }
0x8c: {  	s17 =	sshll.u32 s0, $0xA;
	s2 =	sadd.s32 s3, s2  }
0x8d: {  	s2 =	sadd.s32 s2, s17  }
0x8e: {  	[smem:$0x3FC5] =	sst s2  }
0x8f: {  	_ = 	snop  }
0x90: {  	s2 =	sld [smem:$0x3FC8]  }
0x91: {  	s18 =	sld [smem:$0x3FC7];
	(tm) =	ssettm $0x1  }
0x92: {  	s4 =	sld [smem:$0x3FFB];
	_ =	sdelay $0x3  }
0x93: {  	_ =	strace s4  }
0x94: {  	s4 =	sld [smem:$0x3FFC];
	_ =	sdelay $0x3  }
0x95: {  	_ =	strace s4  }
0x96: {  	s4 =	sld [smem:$0x3FFD];
	_ =	sdelay $0x3  }
0x97: {  	_ =	strace s4  }
0x98: {  	_ =	strace $0x8FFFFFFF  }
0x99: {  	s19 =	sld [smem:$0x3FDB];
	_ =	sdelay $0x1  }
0x9a: {  	s5 =	simm.s32 $_scs_section_size  }
0x9b: {  	s6 =	simm.s32 $_size__tile_overlayer_lowered;
	s7 =	simm.s32 $_tile_overlayer_lowered  }
0x9c: {  	s22 =	simm.s32 $0x1BFF;
	s21 =	sshll.u32 s7, $0x1;
	s4 =	sadd.s32 s5, s19  }
0x9d: {  	s8 =	simm.s32 $0x0;
	s20 =	sshll.u32 s6, $0x1;
	s6 =	sadd.s32 s21, s4  }
0x9e: {  	[timem:s8], [sflag:s22] =	dma.local [hbm:s6], s20  }
0x9f: {  	_ =	swait.ge [sflag:s22], s20  }
0xa0: {  	s5 =	ssub.s32 $0x0, s20;
	[sflag:s22] =	ssyncset.done $0x0  }
0xa1: {  	[sflag:s22] =	ssyncadd.s32 s5;
	_ =	sdelay $0x1  }
0xa2: {  	s23 =	simm.s32 $0x1B8B  }
0xa3: {  	_ =	swait.ge [sflag:s23], $0x1  }
0xa4: {  	[sflag:s23] =	ssyncset.done $0x0  }
0xa5: {  	s25 =	simm.s32 $0x1B8E;
	s24 =	sld [smem:$0x3FFE];
	[sflag:s23] =	ssyncadd.s32 $0xFFFFFFFF  }
0xa6: {  	s26 =	simm.s32 $execute0_lowered;
	[smem:$0x3FD2] =	sst s25  }
0xa7: {  	s6 =	sshll.u32 s26, $0x1;
	_ =	strace $0x80000046;
	[dreg:$0x1] =	wrdreg $0xFFFFFFFF  }
0xa8: {  	s28 =	simm.s32 $_size_execute0_lowered;
	s4 =	sadd.s32 s4, s6;
	[dreg:$0x0] =	wrdreg $0x0  }
0xa9: {  	s6 =	sshll.u32 s28, $0x1;
	[dreg:$0x2] =	wrdreg s4  }
0xaa: {  	[dreg:$0x3] =	wrdreg s6  }
0xab: {  	[dreg:$0x4] =	wrdreg $0xC0  }
0xac: {  	_ =	task [dreg:s8], $0x5FFFF  }
0xad: {  	[dreg:$0x1] =	wrdreg $0xFFFFFFFF  }
0xae: {  	[dreg:$0x0] =	wrdreg $0x60  }
0xaf: {  	[dreg:$0x2] =	wrdreg s2  }
0xb0: {  	[dreg:$0x3] =	wrdreg s18  }
0xb1: {  	[dreg:$0x4] =	wrdreg s24  }
0xb2: {  	[dreg:$0x5] =	wrdreg $0x9  }
0xb3: {  	_ =	task.clear_ibuf [dreg:s8], $0x6FFFF;
	_ =	strace $0x90000046  }
0xb4: {  	s29 =	simm.s32 $0x9;
	_ =	strace $0x80000048  }
0xb5: {  	_ =	swait.ge [sflag:s29], $0x1  }
0xb6: {  	[sflag:s29] =	ssyncadd.s32 $0xFFFFFFFF  }
0xb7: {  	_ =	strace $0x90000048  }
0xb8: {  	_ =	sfence  }
0xb9: {  	s30 =	sld [smem:$0x0];
	_ =	sdelay $0x2  }
0xba: {  	s31 =	sshll.u32 s1, $0xD;
	s1 =	sshrl.u32 s1, $0x2  }
0xbb: {  	s3 =	sand.u32 $0x4000, s31;
	s1 =	sadd.s32 s1, s30  }
0xbc: {  	s0 =	sor.u32 s3, s0;
	s1 =	sshll.u32 s1, $0x11  }
0xbd: {  	s0 =	sor.u32 s1, s0  }
0xbe: {  	s0 =	sadd.s32 $0x8F2B, s0  }
0xbf: {  	[sflag:s0] =	ssyncadd.remote.s32 $0x1  }
0xc0: {  	_ =	sfence.sel $0xFFFF  }
0xc1: {  	[dreg:$0x0] =	wrdreg $0xFFFFFFFF;
	(pc) =	sbr.abs _section_cstart, $3  }
0xc2: {  	[dreg:$0x1] =	wrdreg $0xFFFFFFFF  }
0xc3: {  	_ =	task.clear_ibuf [dreg:s8], $0x2FFFF;
	_ =	strace $0x9FFFFFFF  }
0xc4: {  	(tm) =	ssettm $0x7FFFFFFF  }
0xc5: {  	_ =	shalt  }
tec
execute0_lowered:
.L_overlay_start_1:
0x0: {  	(tag) =	ssettag $0x1  }
0x1: {  	s0 =	rddreg [dreg:$0x0]  }
0x2: {  	s2 =	rddreg [dreg:$0x1]  }
0x3: {  	s4 =	rddreg [dreg:$0x2]  }
0x4: {  	s3 =	srdreg.scid;
	s1 =	stileid.u32  }
0x5: {  	s11 =	simm.s32 $0x9;
	s12 =	simm.s32 $0x80;
	s13 =	simm.s32 $0x880  }
0x6: {  	s14 =	simm.s32 $0x1080;
	s15 =	simm.s32 $0x1880;
	s16 =	simm.s32 $0x2080  }
0x7: {  	s17 =	simm.s32 $0x2880;
	s18 =	simm.s32 $0x3080;
	s19 =	simm.s32 $0x3880  }
0x8: {  	s20 =	simm.s32 $0x4080;
	s21 =	simm.s32 $0x4880;
	s22 =	simm.s32 $0x5080  }
0x9: {  	s23 =	simm.s32 $0x5880;
	s24 =	simm.s32 $0x1;
	s25 =	simm.s32 $0x2  }
0xa: {  	s28 =	simm.s32 $0x4;
	s29 =	simm.s32 $0x5;
	s30 =	simm.s32 $0x6  }
0xb: {  	s31 =	simm.s32 $0x7;
	s5 =	sand.u32 $0x1, s3;
	s3 =	simm.s32 $0x0  }
0xc: {  	s6 =	sshll.u32 s1, $0x3;
	s9 =	sadd.s32 $0xA00, s4;
	s7 =	sshll.u32 s5, $0x2  }
0xd: {  	s4 =	sadd.s32 $0x100, s2;
	s5 =	ssub.s32 $0x2, s5;
	s6 =	sor.u32 s7, s6  }
0xe: {  	[smem:$0x7FF] =	sst s3;
	s8 =	sshrl.u32 s5, $0x1;
	s7 =	smul.u32 $0x300, s6  }
0xf: {  	s0 =	sadd.s32 s0, s6;
	s6 =	smul.u32 $0x1800, s6;
	s10 =	ssub.s32 s5, s8  }
0x10: {  	_ =	strace $0x80000047;
	[dreg:$0x4] =	wrdreg s0;
	s10 =	smax.u32 s10, $0x1  }
0x11: {  	v0 =	vlaneseq.u32;
	s5 =	sadd.s32 s9, s7;
	s26 =	sshrl.u32 s6, $0x3;
	s6 =	sadd.s32 $0x200, s2  }
0x12: {  	v1 =	vshrl.u32 v0, $0x3;
	s7 =	sadd.s32 $0x300, s5;
	s0 =	sadd.s32 s9, s26;
	s26 =	simm.s32 $0x3  }
0x13: {  	vm0 =	vmmov $0xffff;
	v0 =	vand.u32 $0x7, v0;
	v1 =	vmul.u32 $0x8, v1;
	s8 =	sadd.s32 $0x600, s0;
	s9 =	sadd.s32 $0x900, s0;
	s0 =	simm.s32 $0x8  }
.LBB2_1:
0x14: {  	s1 =	rddreg [dreg:$0x4]  }
0x15: {  	[tilespmem:s3], [sflag:$0x9] =	stream.linear.gather [hbm4b:s1+s3], $0x20, $0x38;
	[tilespmem:$0x6080] =	vst v63  }
0x16: {  	_ =	swait.ge [sflag:s11], $0x20  }
0x17: {  	[sflag:s11] =	ssyncset.done $0x0  }
0x18: {  	[sflag:s11] =	ssyncadd.s32 $0xFFFFFFE0  }
0x19: {  	v2 =	vld.msk [tilespmem:$0x0], $0xff;
	_ =	sdelay $0x4  }
0x1a: {  	v3 =	vshrl.u32 v2, $0x3  }
0x1b: {  	v3 =	vmul.u32 $0x30, v3  }
0x1c: {  	v2 =	vand.u32 $0x7, v2  }
0x1d: {  	v2 =	vor.u32 v2, v3  }
0x1e: {  	v2 =	vperm.xlane v2, v0;
	_ =	sdelay $0x1  }
0x1f: {  	v2 =	vadd.s32 v1, v2;
	_ =	sdelay $0x4  }
0x20: {  	[tilespmem:s12], [sflag:$0x1] =	stream.indirect_vreg.gather [hbm4b:s2+s3], $0x80, v2, vm0, $0xb8;
	[tilespmem:$0x6080] =	vst v63  }
0x21: {  	_ = 	snop  }
0x22: {  	[tilespmem:s13], [sflag:$0x1] =	stream.indirect_vreg.gather [hbm4b:s4+s3], $0x80, v2, vm0, $0xb8;
	[tilespmem:$0x6080] =	vst v63  }
0x23: {  	_ = 	snop  }
0x24: {  	[tilespmem:s14], [sflag:$0x1] =	stream.indirect_vreg.gather [hbm4b:s6+s3], $0x80, v2, vm0, $0xb8;
	[tilespmem:$0x6080] =	vst v63  }
0x25: {  	v2 =	vld.msk [tilespmem:$0x8], $0xff;
	_ =	sdelay $0x4  }
0x26: {  	v3 =	vshrl.u32 v2, $0x3  }
0x27: {  	v3 =	vmul.u32 $0x30, v3  }
0x28: {  	v2 =	vand.u32 $0x7, v2  }
0x29: {  	v2 =	vor.u32 v2, v3  }
0x2a: {  	v2 =	vperm.xlane v2, v0;
	_ =	sdelay $0x1  }
0x2b: {  	v2 =	vadd.s32 v1, v2;
	_ =	sdelay $0x4  }
0x2c: {  	[tilespmem:s15], [sflag:$0x2] =	stream.indirect_vreg.gather [hbm4b:s2+s3], $0x80, v2, vm0, $0xb8;
	[tilespmem:$0x6080] =	vst v63  }
0x2d: {  	_ = 	snop  }
0x2e: {  	[tilespmem:s16], [sflag:$0x2] =	stream.indirect_vreg.gather [hbm4b:s4+s3], $0x80, v2, vm0, $0xb8;
	[tilespmem:$0x6080] =	vst v63  }
0x2f: {  	_ = 	snop  }
0x30: {  	[tilespmem:s17], [sflag:$0x2] =	stream.indirect_vreg.gather [hbm4b:s6+s3], $0x80, v2, vm0, $0xb8;
	[tilespmem:$0x6080] =	vst v63  }
0x31: {  	v2 =	vld.msk [tilespmem:$0x10], $0xff;
	_ =	sdelay $0x4  }
0x32: {  	v3 =	vshrl.u32 v2, $0x3  }
0x33: {  	v3 =	vmul.u32 $0x30, v3  }
0x34: {  	v2 =	vand.u32 $0x7, v2  }
0x35: {  	v2 =	vor.u32 v2, v3  }
0x36: {  	v2 =	vperm.xlane v2, v0;
	_ =	sdelay $0x1  }
0x37: {  	v2 =	vadd.s32 v1, v2;
	_ =	sdelay $0x4  }
0x38: {  	[tilespmem:s18], [sflag:$0x3] =	stream.indirect_vreg.gather [hbm4b:s2+s3], $0x80, v2, vm0, $0xb8;
	[tilespmem:$0x6080] =	vst v63  }
0x39: {  	_ = 	snop  }
0x3a: {  	[tilespmem:s19], [sflag:$0x3] =	stream.indirect_vreg.gather [hbm4b:s4+s3], $0x80, v2, vm0, $0xb8;
	[tilespmem:$0x6080] =	vst v63  }
0x3b: {  	_ = 	snop  }
0x3c: {  	[tilespmem:s20], [sflag:$0x3] =	stream.indirect_vreg.gather [hbm4b:s6+s3], $0x80, v2, vm0, $0xb8;
	[tilespmem:$0x6080] =	vst v63  }
0x3d: {  	v2 =	vld.msk [tilespmem:$0x18], $0xff;
	_ =	sdelay $0x4  }
0x3e: {  	v3 =	vshrl.u32 v2, $0x3  }
0x3f: {  	v3 =	vmul.u32 $0x30, v3  }
0x40: {  	v2 =	vand.u32 $0x7, v2  }
0x41: {  	v2 =	vor.u32 v2, v3  }
0x42: {  	v2 =	vperm.xlane v2, v0;
	_ =	sdelay $0x1  }
0x43: {  	v2 =	vadd.s32 v1, v2;
	_ =	sdelay $0x4  }
0x44: {  	[tilespmem:s21], [sflag:$0x4] =	stream.indirect_vreg.gather [hbm4b:s2+s3], $0x80, v2, vm0, $0xb8;
	[tilespmem:$0x6080] =	vst v63  }
0x45: {  	_ = 	snop  }
0x46: {  	[tilespmem:s22], [sflag:$0x4] =	stream.indirect_vreg.gather [hbm4b:s4+s3], $0x80, v2, vm0, $0xb8;
	[tilespmem:$0x6080] =	vst v63  }
0x47: {  	_ = 	snop  }
0x48: {  	[tilespmem:s23], [sflag:$0x4] =	stream.indirect_vreg.gather [hbm4b:s6+s3], $0x80, v2, vm0, $0xb8;
	[tilespmem:$0x6080] =	vst v63  }
0x49: {  	_ =	swait.ge [sflag:s24], $0x1800  }
0x4a: {  	[sflag:s24] =	ssyncset.done $0x0  }
0x4b: {  	[sflag:s24] =	ssyncadd.s32 $0xFFFFE800  }
0x4c: {  	[hbm4b:s5+s3] =	stream.linear.scatter [tilespmem:s12], [sflag:$0x5], $0x1800, $0x38;
	[tilespmem:$0x6080] =	vst v63  }
0x4d: {  	_ =	swait.ge [sflag:s25], $0x1800  }
0x4e: {  	[sflag:s25] =	ssyncset.done $0x0  }
0x4f: {  	[sflag:s25] =	ssyncadd.s32 $0xFFFFE800  }
0x50: {  	[hbm4b:s7+s3] =	stream.linear.scatter [tilespmem:s15], [sflag:$0x6], $0x1800, $0x38;
	[tilespmem:$0x6080] =	vst v63  }
0x51: {  	_ =	swait.ge [sflag:s26], $0x1800  }
0x52: {  	[sflag:s26] =	ssyncset.done $0x0  }
0x53: {  	[sflag:s26] =	ssyncadd.s32 $0xFFFFE800  }
0x54: {  	[hbm4b:s8+s3] =	stream.linear.scatter [tilespmem:s18], [sflag:$0x7], $0x1800, $0x38;
	[tilespmem:$0x6080] =	vst v63  }
0x55: {  	_ =	swait.ge [sflag:s28], $0x1800  }
0x56: {  	[sflag:s28] =	ssyncset.done $0x0  }
0x57: {  	[sflag:s28] =	ssyncadd.s32 $0xFFFFE800  }
0x58: {  	[hbm4b:s9+s3] =	stream.linear.scatter [tilespmem:s21], [sflag:$0x8], $0x1800, $0x38;
	[tilespmem:$0x6080] =	vst v63  }
0x59: {  	_ =	swait.ge [sflag:s29], $0x1800  }
0x5a: {  	[sflag:s29] =	ssyncset.done $0x0  }
0x5b: {  	[sflag:s29] =	ssyncadd.s32 $0xFFFFE800  }
0x5c: {  	_ =	swait.ge [sflag:s30], $0x1800  }
0x5d: {  	[sflag:s30] =	ssyncset.done $0x0  }
0x5e: {  	[sflag:s30] =	ssyncadd.s32 $0xFFFFE800  }
0x5f: {  	p0 =	sne.s32 s10, $0x1;
	_ =	swait.ge [sflag:s31], $0x1800  }
.Ltmp0:
0x60: {  	[sflag:s31] =	ssyncset.done $0x0;
	(pc) =	sbr.rel @p0 .LBB2_1-.Ltmp0, $4  }
0x61: {  	[sflag:s31] =	ssyncadd.s32 $0xFFFFE800  }
0x62: {  	_ =	swait.ge [sflag:s0], $0x1800  }
0x63: {  	[sflag:s0] =	ssyncset.done $0x0  }
0x64: {  	s10 =	sadd.s32 $0xFFFFFFFF, s10;
	[sflag:s0] =	ssyncadd.s32 $0xFFFFE800  }
0x65: {  	_ =	sfence.sel $0x180000  }
0x66: {  	[bflag:$0x0] =	sbarrier.arrive $0xFFFF  }
0x67: {  	_ =	strace $0x90000047  }
0x68: {  	s0 =	stileid.u32;
	[bflag:$0x2] =	sbarrier.arrive $0xFFFF  }
0x69: {  	p0 =	sne.s32 s0, $0x0;
	s0 =	rddreg [dreg:$0x3]  }
0x6a: {  	s0 =	sadd.s32 @!p0 $0x100000, s0  }
0x6b: {  	[sflag:s0] =	ssyncadd.tile.s32 @!p0 $0x1;
	_ =	shalt  }
.Lfunc_end2:
_tile_overlayer_lowered:
.L_overlay_start_2:
0x6c: {  	(tag) =	ssettag $0x2  }
0x6d: {  	s0 =	rddreg [dreg:$0x0];
	s2 =	stileid.u32  }
0x6e: {  	s1 =	rddreg [dreg:$0x1];
	p0 =	sne.s32 s2, $0x0  }
0x6f: {  	s3 =	rddreg [dreg:$0x2];
	[bflag:$0x3] =	sbarrier.arrive $0xFFFF;
	s2 =	simm.s32 @!p0 $0x1C09  }
0x70: {  	[timem:s3], [sflag:s2] =	dma.local @!p0 [hbm:s0], s1  }
0x71: {  	s0 =	simm.s32 @!p0 $0x9  }
0x72: {  	_ =	swait.ge @!p0 [sflag:s0], s1  }
0x73: {  	s1 =	ssub.s32 @!p0 $0x0, s1;
	[sflag:s0] =	ssyncset.done @!p0 $0x0  }
0x74: {  	[sflag:s0] =	ssyncadd.s32 @!p0 s1  }
0x75: {  	[bflag:$0x3] =	sbarrier.arrive $0xFFFF  }
0x76: {  	_ =	shalt  }

</sc_bundles>
